<compile_context>
chip_gen: v7x
topology: tpu7x:2x2x1
jax: 0.10.2.dev20260603
libtpu: 0.0.44.dev20260713+nightly
codegen_flags: <defaults>
</compile_context>

<pallas_src>
import functools

import jax
import jax.numpy as jnp
from jax import lax
from jax.experimental import pallas as pl
from jax.experimental.pallas import tpu as pltpu
from jax.experimental.pallas import tpu_sc as plsc

_EMB = 128
_HID2 = 512
_OUT = 256

_NW = 32


def _make_sc_gather(n):
    bpw = n // _NW
    mesh = plsc.VectorSubcoreMesh(core_axis_name="c", subcore_axis_name="s")

    @functools.partial(
        pl.kernel,
        mesh=mesh,
        out_type=[
            jax.ShapeDtypeStruct((n, _EMB), jnp.float32),
            jax.ShapeDtypeStruct((n, _EMB), jnp.float32),
        ],
        scratch_types=[
            pltpu.VMEM((bpw,), jnp.int32),
            pltpu.VMEM((bpw, _EMB), jnp.float32),
            pltpu.SemaphoreType.DMA,
        ],
    )
    def sc_gather(meter_hbm, unit_hbm, idx2_hbm, idx3_hbm,
                  out_a, out_b, idx_v, rows_v, sem):
        wid = lax.axis_index("s") * 2 + lax.axis_index("c")
        base = wid * bpw
        pltpu.sync_copy(idx2_hbm.at[pl.ds(base, bpw)], idx_v)
        pltpu.async_copy(meter_hbm.at[idx_v], rows_v, sem).wait()
        pltpu.sync_copy(rows_v, out_a.at[pl.ds(base, bpw)])
        pltpu.sync_copy(idx3_hbm.at[pl.ds(base, bpw)], idx_v)
        pltpu.async_copy(unit_hbm.at[idx_v], rows_v, sem).wait()
        pltpu.sync_copy(rows_v, out_b.at[pl.ds(base, bpw)])

    return sc_gather


def _mlp_kernel(ea_ref, eb_ref, w1_ref, b1_ref, w2_ref, b2_ref,
                out_ref, w1t_ref, w2t_ref, b1c_ref):
    @pl.when(pl.program_id(0) == 0)
    def _prep():
        w1t_ref[...] = w1_ref[...].T.astype(jnp.bfloat16)
        w2t_ref[...] = w2_ref[...].T.astype(jnp.bfloat16)
        b1c_ref[...] = b1_ref[...].astype(jnp.bfloat16)

    e = jnp.concatenate(
        [ea_ref[...].astype(jnp.bfloat16), eb_ref[...].astype(jnp.bfloat16)],
        axis=1)
    h = jnp.dot(e, w1t_ref[...], preferred_element_type=jnp.float32)
    h = jnp.maximum(h.astype(jnp.bfloat16) + b1c_ref[...], jnp.bfloat16(0.0))
    out_ref[...] = (
        jnp.dot(h, w2t_ref[...], preferred_element_type=jnp.float32) + b2_ref[...]
    )


def kernel(input_tensor, meter_table, unit_table, W1, b1, W2, b2):
    n = input_tensor.shape[0]
    bn = 4096
    idx2 = input_tensor[:, 2]
    idx3 = input_tensor[:, 3]

    emb_a, emb_b = _make_sc_gather(n)(meter_table, unit_table, idx2, idx3)

    out = pl.pallas_call(
        _mlp_kernel,
        grid=(n // bn,),
        in_specs=[
            pl.BlockSpec((bn, _EMB), lambda i: (i, 0)),
            pl.BlockSpec((bn, _EMB), lambda i: (i, 0)),
            pl.BlockSpec((_HID2, 2 * _EMB), lambda i: (0, 0)),
            pl.BlockSpec((1, _HID2), lambda i: (0, 0)),
            pl.BlockSpec((_OUT, _HID2), lambda i: (0, 0)),
            pl.BlockSpec((1, _OUT), lambda i: (0, 0)),
        ],
        out_specs=pl.BlockSpec((bn, _OUT), lambda i: (i, 0)),
        out_shape=jax.ShapeDtypeStruct((n, _OUT), jnp.float32),
        scratch_shapes=[
            pltpu.VMEM((2 * _EMB, _HID2), jnp.bfloat16),
            pltpu.VMEM((_HID2, _OUT), jnp.bfloat16),
            pltpu.VMEM((1, _HID2), jnp.bfloat16),
        ],
    )(emb_a, emb_b, W1, b1.reshape(1, _HID2), W2, b2.reshape(1, _OUT))
    return out

# --- scband reference (transcript-rebuilt; emitter-appended) ---
"""Pipeline reference for scband-header-embedding-model-for-mu-53111565583067 (READ-ONLY COPY).

The authoritative reference and input builder live on the scoring server;
editing this copy changes nothing except your own understanding.
"""

import jax, jax.numpy as jnp
import numpy as np

V_METER = 100
V_UNIT = 100
EMB = 128
HID = 256
OUT = 256
N = 16384


def setup_inputs(seed: int = 0) -> dict:
    key = jax.random.key(seed)
    k1, k2, k3, k4, k5, k6, k7 = jax.random.split(key, 7)
    input_tensor = jax.random.randint(k1, (N, 4), 0, V_METER, dtype=jnp.int32)
    meter_table = jax.random.normal(k2, (V_METER, EMB), dtype=jnp.float32)
    unit_table = jax.random.normal(k3, (V_UNIT, EMB), dtype=jnp.float32)
    W1 = jax.random.normal(k4, (HID * 2, EMB * 2), dtype=jnp.float32) * 0.05
    b1 = jax.random.normal(k5, (HID * 2,), dtype=jnp.float32) * 0.05
    W2 = jax.random.normal(k6, (OUT, HID * 2), dtype=jnp.float32) * 0.05
    b2 = jax.random.normal(k7, (OUT,), dtype=jnp.float32) * 0.05
    return {
        "input_tensor": input_tensor,
        "meter_table": meter_table,
        "unit_table": unit_table,
        "W1": W1,
        "b1": b1,
        "W2": W2,
        "b2": b2,
    }


def reference(input_tensor, meter_table, unit_table, W1, b1, W2, b2):
    # concat_emb: gather from the two embedding tables using columns 2 and 3
    meter_emb = jnp.take(meter_table, input_tensor[:, 2], axis=0)
    unit_emb = jnp.take(unit_table, input_tensor[:, 3], axis=0)
    emb = jnp.concatenate([meter_emb, unit_emb], axis=1)
    # nn.Sequential(Linear(256, 512), ReLU(), Linear(512, 256))
    h = jnp.maximum(emb @ W1.T + b1, 0.0)
    out = h @ W2.T + b2
    return out

if __name__ == "__main__":
    import jax
    _d = setup_inputs()
    print(jax.jit(kernel)(*tuple(_d.values())))

</pallas_src>

<mosaic_0001>
#map = affine_map<(d0, d1) -> (0, 0)>
#map1 = affine_map<(d0, d1) -> (0)>
module attributes {stable_mosaic.version = 14 : i64} {
  func.func @sc_gather(%arg0: i32, %arg1: i32, %arg2: memref<100x128xf32, #tpu.memory_space<hbm>>, %arg3: memref<100x128xf32, #tpu.memory_space<hbm>>, %arg4: memref<16384xi32, #tpu.memory_space<hbm>>, %arg5: memref<16384xi32, #tpu.memory_space<hbm>>, %arg6: memref<16384x128xf32, #tpu.memory_space<hbm>>, %arg7: memref<16384x128xf32, #tpu.memory_space<hbm>>, %arg8: memref<512xi32, #tpu.memory_space<vmem>>, %arg9: memref<512x128xf32, #tpu.memory_space<vmem>>, %arg10: memref<!tpu.dma_semaphore, #tpu.memory_space<semaphore_mem>>) attributes {dimension_semantics = [#tpu.dimension_semantics<core_parallel>, #tpu.dimension_semantics<subcore_parallel>], iteration_bounds = array<i64: 2, 16>, scalar_prefetch = 0 : i64, scratch_operands = 3 : i64, tpu.core_type = #tpu.core_type<sc_vector_subcore>, window_params = [{transform_indices = #map}, {transform_indices = #map}, {transform_indices = #map1}, {transform_indices = #map1}, {transform_indices = #map}, {transform_indices = #map}]} {
    %mul3A = arith.constant 2 : i32
    %mul3A_0 = arith.muli %arg1, %mul3A : i32
    %add3A = arith.addi %mul3A_0, %arg0 : i32
    %mul3A_1 = arith.constant 512 : i32
    %mul3A_2 = arith.muli %add3A, %mul3A_1 : i32
    "tpu.region"() ({
      %run_scoped3A = tpu.sem_alloc : memref<!tpu.dma_semaphore, #tpu.memory_space<semaphore_mem>>
      %dma_start3A_13 = tpu.memref_slice %arg4[%mul3A_2] : memref<16384xi32, #tpu.memory_space<hbm>> -> memref<512xi32, #tpu.memory_space<hbm>>
      %dma_start3A_14 = tpu.memref_slice %arg4[%mul3A_2] : memref<16384xi32, #tpu.memory_space<hbm>> -> memref<512xi32, #tpu.memory_space<hbm>>
      tpu.enqueue_dma source(%dma_start3A_14 : memref<512xi32, #tpu.memory_space<hbm>>) target(%arg8 : memref<512xi32, #tpu.memory_space<vmem>>) target_semaphore(%run_scoped3A : memref<!tpu.dma_semaphore, #tpu.memory_space<semaphore_mem>>)
      %dma_wait3A_15 = tpu.memref_slice %arg4[%mul3A_2] : memref<16384xi32, #tpu.memory_space<hbm>> -> memref<512xi32, #tpu.memory_space<hbm>>
      %dma_wait3A_16 = tpu.memref_slice %arg4[%mul3A_2] : memref<16384xi32, #tpu.memory_space<hbm>> -> memref<512xi32, #tpu.memory_space<hbm>>
      tpu.wait_dma2 semaphore(%run_scoped3A : memref<!tpu.dma_semaphore, #tpu.memory_space<semaphore_mem>>) src(%dma_wait3A_16 : memref<512xi32, #tpu.memory_space<hbm>>) dst(%arg8 : memref<512xi32, #tpu.memory_space<vmem>>)
      tpu.yield
    }) : () -> ()
    %dma_start3A = arith.constant 0 : i32
    %dma_start3A_3 = arith.constant 0 : i32
    %dma_start3A_4 = tpu.memref_slice %arg2[%dma_start3A, %dma_start3A_3] : memref<100x128xf32, #tpu.memory_space<hbm>> -> memref<100x128xf32, #tpu.memory_space<hbm>>
    tpu.enqueue_indirect_dma source(%dma_start3A_4 : memref<100x128xf32, #tpu.memory_space<hbm>>) target(%arg9 : memref<512x128xf32, #tpu.memory_space<vmem>>) offsets(%arg8 : memref<512xi32, #tpu.memory_space<vmem>>) semaphore(%arg10 : memref<!tpu.dma_semaphore, #tpu.memory_space<semaphore_mem>>)
    %dma_wait3A = arith.constant 0 : i32
    %dma_wait3A_5 = arith.constant 0 : i32
    %dma_wait3A_6 = tpu.memref_slice %arg2[%dma_wait3A, %dma_wait3A_5] : memref<100x128xf32, #tpu.memory_space<hbm>> -> memref<100x128xf32, #tpu.memory_space<hbm>>
    tpu.wait_indirect_dma semaphore(%arg10 : memref<!tpu.dma_semaphore, #tpu.memory_space<semaphore_mem>>) src(%dma_wait3A_6 : memref<100x128xf32, #tpu.memory_space<hbm>>) dst(%arg9 : memref<512x128xf32, #tpu.memory_space<vmem>>)
    "tpu.region"() ({
      %run_scoped3A = tpu.sem_alloc : memref<!tpu.dma_semaphore, #tpu.memory_space<semaphore_mem>>
      %dma_start3A_13 = arith.constant 0 : i32
      %dma_start3A_14 = tpu.memref_slice %arg6[%mul3A_2, %dma_start3A_13] : memref<16384x128xf32, #tpu.memory_space<hbm>> -> memref<512x128xf32, #tpu.memory_space<hbm>>
      %dma_start3A_15 = arith.constant 0 : i32
      %dma_start3A_16 = tpu.memref_slice %arg6[%mul3A_2, %dma_start3A_15] : memref<16384x128xf32, #tpu.memory_space<hbm>> -> memref<512x128xf32, #tpu.memory_space<hbm>>
      tpu.enqueue_dma source(%arg9 : memref<512x128xf32, #tpu.memory_space<vmem>>) target(%dma_start3A_16 : memref<512x128xf32, #tpu.memory_space<hbm>>) target_semaphore(%run_scoped3A : memref<!tpu.dma_semaphore, #tpu.memory_space<semaphore_mem>>)
      %dma_wait3A_17 = arith.constant 0 : i32
      %dma_wait3A_18 = tpu.memref_slice %arg6[%mul3A_2, %dma_wait3A_17] : memref<16384x128xf32, #tpu.memory_space<hbm>> -> memref<512x128xf32, #tpu.memory_space<hbm>>
      %dma_wait3A_19 = arith.constant 0 : i32
      %dma_wait3A_20 = tpu.memref_slice %arg6[%mul3A_2, %dma_wait3A_19] : memref<16384x128xf32, #tpu.memory_space<hbm>> -> memref<512x128xf32, #tpu.memory_space<hbm>>
      tpu.wait_dma2 semaphore(%run_scoped3A : memref<!tpu.dma_semaphore, #tpu.memory_space<semaphore_mem>>) src(%arg9 : memref<512x128xf32, #tpu.memory_space<vmem>>) dst(%dma_wait3A_20 : memref<512x128xf32, #tpu.memory_space<hbm>>)
      tpu.yield
    }) : () -> ()
    "tpu.region"() ({
      %run_scoped3A = tpu.sem_alloc : memref<!tpu.dma_semaphore, #tpu.memory_space<semaphore_mem>>
      %dma_start3A_13 = tpu.memref_slice %arg5[%mul3A_2] : memref<16384xi32, #tpu.memory_space<hbm>> -> memref<512xi32, #tpu.memory_space<hbm>>
      %dma_start3A_14 = tpu.memref_slice %arg5[%mul3A_2] : memref<16384xi32, #tpu.memory_space<hbm>> -> memref<512xi32, #tpu.memory_space<hbm>>
      tpu.enqueue_dma source(%dma_start3A_14 : memref<512xi32, #tpu.memory_space<hbm>>) target(%arg8 : memref<512xi32, #tpu.memory_space<vmem>>) target_semaphore(%run_scoped3A : memref<!tpu.dma_semaphore, #tpu.memory_space<semaphore_mem>>)
      %dma_wait3A_15 = tpu.memref_slice %arg5[%mul3A_2] : memref<16384xi32, #tpu.memory_space<hbm>> -> memref<512xi32, #tpu.memory_space<hbm>>
      %dma_wait3A_16 = tpu.memref_slice %arg5[%mul3A_2] : memref<16384xi32, #tpu.memory_space<hbm>> -> memref<512xi32, #tpu.memory_space<hbm>>
      tpu.wait_dma2 semaphore(%run_scoped3A : memref<!tpu.dma_semaphore, #tpu.memory_space<semaphore_mem>>) src(%dma_wait3A_16 : memref<512xi32, #tpu.memory_space<hbm>>) dst(%arg8 : memref<512xi32, #tpu.memory_space<vmem>>)
      tpu.yield
    }) : () -> ()
    %dma_start3A_7 = arith.constant 0 : i32
    %dma_start3A_8 = arith.constant 0 : i32
    %dma_start3A_9 = tpu.memref_slice %arg3[%dma_start3A_7, %dma_start3A_8] : memref<100x128xf32, #tpu.memory_space<hbm>> -> memref<100x128xf32, #tpu.memory_space<hbm>>
    tpu.enqueue_indirect_dma source(%dma_start3A_9 : memref<100x128xf32, #tpu.memory_space<hbm>>) target(%arg9 : memref<512x128xf32, #tpu.memory_space<vmem>>) offsets(%arg8 : memref<512xi32, #tpu.memory_space<vmem>>) semaphore(%arg10 : memref<!tpu.dma_semaphore, #tpu.memory_space<semaphore_mem>>)
    %dma_wait3A_10 = arith.constant 0 : i32
    %dma_wait3A_11 = arith.constant 0 : i32
    %dma_wait3A_12 = tpu.memref_slice %arg3[%dma_wait3A_10, %dma_wait3A_11] : memref<100x128xf32, #tpu.memory_space<hbm>> -> memref<100x128xf32, #tpu.memory_space<hbm>>
    tpu.wait_indirect_dma semaphore(%arg10 : memref<!tpu.dma_semaphore, #tpu.memory_space<semaphore_mem>>) src(%dma_wait3A_12 : memref<100x128xf32, #tpu.memory_space<hbm>>) dst(%arg9 : memref<512x128xf32, #tpu.memory_space<vmem>>)
    "tpu.region"() ({
      %run_scoped3A = tpu.sem_alloc : memref<!tpu.dma_semaphore, #tpu.memory_space<semaphore_mem>>
      %dma_start3A_13 = arith.constant 0 : i32
      %dma_start3A_14 = tpu.memref_slice %arg7[%mul3A_2, %dma_start3A_13] : memref<16384x128xf32, #tpu.memory_space<hbm>> -> memref<512x128xf32, #tpu.memory_space<hbm>>
      %dma_start3A_15 = arith.constant 0 : i32
      %dma_start3A_16 = tpu.memref_slice %arg7[%mul3A_2, %dma_start3A_15] : memref<16384x128xf32, #tpu.memory_space<hbm>> -> memref<512x128xf32, #tpu.memory_space<hbm>>
      tpu.enqueue_dma source(%arg9 : memref<512x128xf32, #tpu.memory_space<vmem>>) target(%dma_start3A_16 : memref<512x128xf32, #tpu.memory_space<hbm>>) target_semaphore(%run_scoped3A : memref<!tpu.dma_semaphore, #tpu.memory_space<semaphore_mem>>)
      %dma_wait3A_17 = arith.constant 0 : i32
      %dma_wait3A_18 = tpu.memref_slice %arg7[%mul3A_2, %dma_wait3A_17] : memref<16384x128xf32, #tpu.memory_space<hbm>> -> memref<512x128xf32, #tpu.memory_space<hbm>>
      %dma_wait3A_19 = arith.constant 0 : i32
      %dma_wait3A_20 = tpu.memref_slice %arg7[%mul3A_2, %dma_wait3A_19] : memref<16384x128xf32, #tpu.memory_space<hbm>> -> memref<512x128xf32, #tpu.memory_space<hbm>>
      tpu.wait_dma2 semaphore(%run_scoped3A : memref<!tpu.dma_semaphore, #tpu.memory_space<semaphore_mem>>) src(%arg9 : memref<512x128xf32, #tpu.memory_space<vmem>>) dst(%dma_wait3A_20 : memref<512x128xf32, #tpu.memory_space<hbm>>)
      tpu.yield
    }) : () -> ()
    return
  }
}

module attributes {stable_mosaic.version = 14 : i64} {
  func.func @_mlp_kernel(%arg0: i32, %arg1: memref<4096x128xf32, #tpu.memory_space<vmem>>, %arg2: memref<4096x128xf32, #tpu.memory_space<vmem>>, %arg3: memref<512x256xf32, #tpu.memory_space<vmem>>, %arg4: memref<1x512xf32, #tpu.memory_space<vmem>>, %arg5: memref<256x512xf32, #tpu.memory_space<vmem>>, %arg6: memref<1x256xf32, #tpu.memory_space<vmem>>, %arg7: memref<4096x256xf32, #tpu.memory_space<vmem>>, %arg8: memref<256x512xbf16, #tpu.memory_space<vmem>>, %arg9: memref<512x256xbf16, #tpu.memory_space<vmem>>, %arg10: memref<1x512xbf16, #tpu.memory_space<vmem>>) attributes {dimension_semantics = [#tpu.dimension_semantics<arbitrary>], iteration_bounds = array<i64: 4>, scalar_prefetch = 0 : i64, scratch_operands = 3 : i64, tpu.core_type = #tpu.core_type<tc>, window_params = [{transform_indices = @transform_0, window_bounds = array<i64: 4096, 128>}, {transform_indices = @transform_1, window_bounds = array<i64: 4096, 128>}, {pipeline_mode = #tpu.pipeline_mode<synchronous>, transform_indices = @transform_2, window_bounds = array<i64: 512, 256>}, {pipeline_mode = #tpu.pipeline_mode<synchronous>, transform_indices = @transform_3, window_bounds = array<i64: 1, 512>}, {pipeline_mode = #tpu.pipeline_mode<synchronous>, transform_indices = @transform_4, window_bounds = array<i64: 256, 512>}, {pipeline_mode = #tpu.pipeline_mode<synchronous>, transform_indices = @transform_5, window_bounds = array<i64: 1, 256>}, {transform_indices = @transform_6, window_bounds = array<i64: 4096, 256>}]} {
    %eq3A = arith.constant 0 : i32
    %eq3A_0 = arith.cmpi eq, %arg0, %eq3A : i32
    %convert_element_type3A = arith.extui %eq3A_0 : i1 to i32
    %cond3A = arith.constant 0 : i32
    %cond3A_1 = arith.cmpi ne, %convert_element_type3A, %cond3A : i32
    scf.if %cond3A_1 {
      %get3A_32 = arith.constant 0 : index
      %get3A_33 = arith.constant 0 : index
      %get3A_34 = vector.load %arg3[%get3A_32, %get3A_33] : memref<512x256xf32, #tpu.memory_space<vmem>>, vector<512x256xf32>
      %transpose3A = tpu.transpose %get3A_34, [1, 0] : vector<512x256xf32> -> vector<256x512xf32>
      %convert_element_type3A_35 = arith.truncf %transpose3A : vector<256x512xf32> to vector<256x512xbf16>
      %swap3A_36 = arith.constant 0 : index
      %swap3A_37 = arith.constant 0 : index
      %swap3A_38 = vector.load %arg8[%swap3A_36, %swap3A_37] : memref<256x512xbf16, #tpu.memory_space<vmem>>, vector<256x512xbf16>
      tpu.vector_store %arg8[%swap3A_36, %swap3A_37], %convert_element_type3A_35 {strides = array<i32>} : memref<256x512xbf16, #tpu.memory_space<vmem>>, vector<256x512xbf16>,
      %get3A_39 = arith.constant 0 : index
      %get3A_40 = arith.constant 0 : index
      %get3A_41 = vector.load %arg5[%get3A_39, %get3A_40] : memref<256x512xf32, #tpu.memory_space<vmem>>, vector<256x512xf32>
      %transpose3A_42 = tpu.transpose %get3A_41, [1, 0] : vector<256x512xf32> -> vector<512x256xf32>
      %convert_element_type3A_43 = arith.truncf %transpose3A_42 : vector<512x256xf32> to vector<512x256xbf16>
      %swap3A_44 = arith.constant 0 : index
      %swap3A_45 = arith.constant 0 : index
      %swap3A_46 = vector.load %arg9[%swap3A_44, %swap3A_45] : memref<512x256xbf16, #tpu.memory_space<vmem>>, vector<512x256xbf16>
      tpu.vector_store %arg9[%swap3A_44, %swap3A_45], %convert_element_type3A_43 {strides = array<i32>} : memref<512x256xbf16, #tpu.memory_space<vmem>>, vector<512x256xbf16>,
      %get3A_47 = arith.constant 0 : index
      %get3A_48 = arith.constant 0 : index
      %get3A_49 = vector.load %arg4[%get3A_47, %get3A_48] : memref<1x512xf32, #tpu.memory_space<vmem>>, vector<1x512xf32>
      %convert_element_type3A_50 = arith.truncf %get3A_49 : vector<1x512xf32> to vector<1x512xbf16>
      %swap3A_51 = arith.constant 0 : index
      %swap3A_52 = arith.constant 0 : index
      %swap3A_53 = vector.load %arg10[%swap3A_51, %swap3A_52] : memref<1x512xbf16, #tpu.memory_space<vmem>>, vector<1x512xbf16>
      tpu.vector_store %arg10[%swap3A_51, %swap3A_52], %convert_element_type3A_50 {strides = array<i32>} : memref<1x512xbf16, #tpu.memory_space<vmem>>, vector<1x512xbf16>,
    } else {
    }
    %get3A = arith.constant 0 : index
    %get3A_2 = arith.constant 0 : index
    %get3A_3 = vector.load %arg1[%get3A, %get3A_2] : memref<4096x128xf32, #tpu.memory_space<vmem>>, vector<4096x128xf32>
    %convert_element_type3A_4 = arith.truncf %get3A_3 : vector<4096x128xf32> to vector<4096x128xbf16>
    %get3A_5 = arith.constant 0 : index
    %get3A_6 = arith.constant 0 : index
    %get3A_7 = vector.load %arg2[%get3A_5, %get3A_6] : memref<4096x128xf32, #tpu.memory_space<vmem>>, vector<4096x128xf32>
    %convert_element_type3A_8 = arith.truncf %get3A_7 : vector<4096x128xf32> to vector<4096x128xbf16>
    %concatenate3A = tpu.concatenate %convert_element_type3A_4, %convert_element_type3A_8 in 1 : vector<4096x128xbf16>, vector<4096x128xbf16> -> vector<4096x256xbf16>
    %get3A_9 = arith.constant 0 : index
    %get3A_10 = arith.constant 0 : index
    %get3A_11 = vector.load %arg8[%get3A_9, %get3A_10] : memref<256x512xbf16, #tpu.memory_space<vmem>>, vector<256x512xbf16>
    %dot_general3A = arith.constant dense<0.000000e+00> : vector<4096x512xf32>
    %dot_general3A_12 = tpu.matmul %concatenate3A, %get3A_11, %dot_general3A {dimension_numbers = #tpu.dot_dimension_numbers<[1], [0], [0], [1], [0, 0, 1, 1], [], []>, transpose_lhs_hint = false} : vector<4096x256xbf16>, vector<256x512xbf16>, vector<4096x512xf32> -> vector<4096x512xf32>
    %convert_element_type3A_13 = arith.truncf %dot_general3A_12 : vector<4096x512xf32> to vector<4096x512xbf16>
    %get3A_14 = arith.constant 0 : index
    %get3A_15 = arith.constant 0 : index
    %get3A_16 = vector.load %arg10[%get3A_14, %get3A_15] : memref<1x512xbf16, #tpu.memory_space<vmem>>, vector<1x512xbf16>
    %add3A = vector.broadcast %get3A_16 : vector<1x512xbf16> to vector<4096x512xbf16>
    %add3A_17 = arith.addf %convert_element_type3A_13, %add3A : vector<4096x512xbf16>
    %max3A = arith.constant 0.000000e+00 : bf16
    %max3A_18 = vector.broadcast %max3A : bf16 to vector<4096x512xbf16>
    %max3A_19 = arith.maximumf %add3A_17, %max3A_18 : vector<4096x512xbf16>
    %get3A_20 = arith.constant 0 : index
    %get3A_21 = arith.constant 0 : index
    %get3A_22 = vector.load %arg9[%get3A_20, %get3A_21] : memref<512x256xbf16, #tpu.memory_space<vmem>>, vector<512x256xbf16>
    %dot_general3A_23 = arith.constant dense<0.000000e+00> : vector<4096x256xf32>
    %dot_general3A_24 = tpu.matmul %max3A_19, %get3A_22, %dot_general3A_23 {dimension_numbers = #tpu.dot_dimension_numbers<[1], [0], [0], [1], [0, 0, 1, 1], [], []>, transpose_lhs_hint = false} : vector<4096x512xbf16>, vector<512x256xbf16>, vector<4096x256xf32> -> vector<4096x256xf32>
    %get3A_25 = arith.constant 0 : index
    %get3A_26 = arith.constant 0 : index
    %get3A_27 = vector.load %arg6[%get3A_25, %get3A_26] : memref<1x256xf32, #tpu.memory_space<vmem>>, vector<1x256xf32>
    %add3A_28 = vector.broadcast %get3A_27 : vector<1x256xf32> to vector<4096x256xf32>
    %add3A_29 = arith.addf %dot_general3A_24, %add3A_28 : vector<4096x256xf32>
    %swap3A = arith.constant 0 : index
    %swap3A_30 = arith.constant 0 : index
    %swap3A_31 = vector.load %arg7[%swap3A, %swap3A_30] : memref<4096x256xf32, #tpu.memory_space<vmem>>, vector<4096x256xf32>
    tpu.vector_store %arg7[%swap3A, %swap3A_30], %add3A_29 {strides = array<i32>} : memref<4096x256xf32, #tpu.memory_space<vmem>>, vector<4096x256xf32>,
    return
  }
  func.func @transform_0(%arg0: i32) -> (i32, i32) {
    %c0_i32 = arith.constant 0 : i32
    %c0_i32_0 = arith.constant 0 : i32
    return %arg0, %c0_i32 : i32, i32
  }
  func.func @transform_1(%arg0: i32) -> (i32, i32) {
    %c0_i32 = arith.constant 0 : i32
    %c0_i32_0 = arith.constant 0 : i32
    return %arg0, %c0_i32 : i32, i32
  }
  func.func @transform_2(%arg0: i32) -> (i32, i32) {
    %c0_i32 = arith.constant 0 : i32
    %c0_i32_0 = arith.constant 0 : i32
    %c0_i32_1 = arith.constant 0 : i32
    return %c0_i32, %c0_i32_0 : i32, i32
  }
  func.func @transform_3(%arg0: i32) -> (i32, i32) {
    %c0_i32 = arith.constant 0 : i32
    %c0_i32_0 = arith.constant 0 : i32
    %c0_i32_1 = arith.constant 0 : i32
    return %c0_i32, %c0_i32_0 : i32, i32
  }
  func.func @transform_4(%arg0: i32) -> (i32, i32) {
    %c0_i32 = arith.constant 0 : i32
    %c0_i32_0 = arith.constant 0 : i32
    %c0_i32_1 = arith.constant 0 : i32
    return %c0_i32, %c0_i32_0 : i32, i32
  }
  func.func @transform_5(%arg0: i32) -> (i32, i32) {
    %c0_i32 = arith.constant 0 : i32
    %c0_i32_0 = arith.constant 0 : i32
    %c0_i32_1 = arith.constant 0 : i32
    return %c0_i32, %c0_i32_0 : i32, i32
  }
  func.func @transform_6(%arg0: i32) -> (i32, i32) {
    %c0_i32 = arith.constant 0 : i32
    %c0_i32_0 = arith.constant 0 : i32
    return %arg0, %c0_i32 : i32, i32
  }
}

</mosaic_0001>

<sc_bundles>
// kernel: kernel.4.cloned.1.call-start
scs
__scs_entry_jumppad:
0x0: {  	(pc) =	sbr.rel $0x88, $3  }
0x1: {  	(tag) =	ssettag $0x0;
	lr =	simm.s32 $0x1  }
0x2: {  	[smem:$0x3F9A] =	sst lr;
	_ =	strace $0xD0000000  }
0x3: {  	_ = 	snop  }
0x4: {  	_ = 	snop  }
0x5: {  	_ = 	snop  }
0x6: {  	_ = 	snop  }
0x7: {  	_ = 	snop  }
__scs_overlays_trampoline_lowered:
0x8: {  	[smem:$0x3FA9] =	sst s0  }
0x9: {  	[smem:$0x3FAA] =	sst s1  }
0xa: {  	[smem:$0x3FAB] =	sst s2  }
0xb: {  	[smem:$0x3FAC] =	sst s3  }
0xc: {  	[smem:$0x3FAD] =	sst s4  }
0xd: {  	[smem:$0x3FAE] =	sst s5  }
0xe: {  	[smem:$0x3FAF] =	sst s6  }
0xf: {  	[smem:$0x3FB0] =	sst s7  }
0x10: {  	[smem:$0x3FB1] =	sst s8  }
0x11: {  	[smem:$0x3FB2] =	sst s9;
	s0 =	simm.s32 @!p0 $0x0  }
0x12: {  	s1 =	sld [smem:$0x3F98];
	s0 =	simm.s32 @p0 $0x1  }
0x13: {  	[smem:$0x3FB3] =	sst s0;
	s0 =	simm.s32 @!p1 $0x0  }
0x14: {  	s2 =	sld [smem:$0x3F97];
	s0 =	simm.s32 @p1 $0x1  }
0x15: {  	[smem:$0x3FB4] =	sst s0;
	s0 =	simm.s32 @!p2 $0x0  }
0x16: {  	s3 =	sld [smem:$0x3FDB];
	s0 =	simm.s32 @p2 $0x1  }
0x17: {  	s4 =	simm.s32 $0x1BF5;
	[smem:$0x3FB6] =	sst s0  }
0x18: {  	s0 =	sld [smem:$0x3F99];
	_ =	swait.ge [sflag:s4], $0x0  }
0x19: {  	s7 =	sld [smem:$0x3F9A]  }
0x1a: {  	s8 =	sadd.s32 $0xFFFFE003, lr  }
0x1b: {  	s9 =	sadd.s32 $0xFFFFFEF7, lr;
	s5 =	simm.s32 $0xFFFFFFFF;
	p2 =	slt.u32 s8, $0xFFFFF086  }
0x1c: {  	p1 =	slt.u32 s9, $0xF7A;
	s5 =	simm.s32 @!p2 $0x0  }
0x1d: {  	s5 =	simm.s32 @p1 $0x1;
	p0 =	seq.s32 s7, s2  }
0x1e: {  	s7 =	smul.u32 @!p0 $0xF7A, s2;
	p2 =	seq.s32 @!p0 s5, $0x0  }
0x1f: {  	s9 =	smul.u32 $0xF7A, s1;
	s8 =	simm.s32 @!p0 $0x1BF5;
	p2 =	por !p2, p0  }
0x20: {  	[sflag:s8] =	ssyncset.s32 @!p0 $0xFFFFF086;
	s6 =	sadd.s32 @!p0 s3, s7;
	s7 =	simm.s32 @!p0 $0x108  }
0x21: {  	s3 =	sadd.s32 s3, s9;
	s6 =	sadd.s32 @!p0 $0x88, s6;
	s7 =	simm.s32 @p2 $0x1082  }
0x22: {  	[simem:s7], [sflag:s8] =	dma.local @!p0 [hbm:s6], $0xF7A  }
0x23: {  	s9 =	sor.u32 $0xD0000000, s2;
	s6 =	simm.s32 $0x108;
	_ =	swait.ge @!p0 [sflag:s8], $0x0  }
0x24: {  	s3 =	sadd.s32 $0x88, s3;
	s6 =	simm.s32 @!p1 $0x1082;
	[sflag:s4] =	ssyncset.s32 $0xFFFFF086  }
0x25: {  	[simem:s6], [sflag:s4] =	dma.local [hbm:s3], $0xF7A  }
0x26: {  	[smem:$0x3F9A] =	sst s1;
	(tag) =	ssettag s2;
	_ =	strace s9  }
0x27: {  	s1 =	sld [smem:$0x3FAA]  }
0x28: {  	s2 =	sld [smem:$0x3FAB]  }
0x29: {  	s4 =	sld [smem:$0x3FAD]  }
0x2a: {  	p0 =	seq.s32 s5, $0x0;
	s5 =	sld [smem:$0x3FAE]  }
0x2b: {  	s6 =	sld [smem:$0x3FAF]  }
0x2c: {  	s7 =	sld [smem:$0x3FB0]  }
0x2d: {  	s3 =	simm.s32 $0x108;
	s8 =	sld [smem:$0x3FB1]  }
0x2e: {  	s3 =	simm.s32 @!p0 $0x1082;
	s9 =	sld [smem:$0x3FB2]  }
0x2f: {  	lr =	sadd.s32 s0, s3;
	s0 =	sld [smem:$0x3FA9]  }
0x30: {  	s3 =	sld [smem:$0x3FAC]  }
0x31: {  	[smem:$0x3FB5] =	sst s10  }
0x32: {  	s10 =	sld [smem:$0x3FB3];
	_ =	sdelay $0x3  }
0x33: {  	p0 =	seq.s32 s10, $0x1;
	s10 =	sld [smem:$0x3FB5];
	_ =	sdelay $0x3  }
0x34: {  	[smem:$0x3FB5] =	sst s10  }
0x35: {  	s10 =	sld [smem:$0x3FB4];
	_ =	sdelay $0x3  }
0x36: {  	p1 =	seq.s32 s10, $0x1;
	s10 =	sld [smem:$0x3FB5];
	_ =	sdelay $0x3  }
0x37: {  	[smem:$0x3FB5] =	sst s10  }
0x38: {  	s10 =	sld [smem:$0x3FB6]  }
0x39: {  	_ = 	snop;
	(pc) =	sbr.ind lr, $3  }
0x3a: {  	_ = 	snop  }
0x3b: {  	_ = 	snop  }
0x3c: {  	p2 =	seq.s32 s10, $0x1;
	s10 =	sld [smem:$0x3FB5]  }
0x3d: {  	_ =	shalt  }
0x3e: {  	_ =	shalt  }
0x3f: {  	_ =	shalt  }
0x40: {  	_ =	shalt  }
0x41: {  	_ =	shalt  }
0x42: {  	_ =	shalt  }
0x43: {  	_ =	shalt  }
0x44: {  	_ =	shalt  }
0x45: {  	_ =	shalt  }
0x46: {  	_ =	shalt  }
0x47: {  	_ =	shalt  }
0x48: {  	_ =	shalt  }
0x49: {  	_ =	shalt  }
0x4a: {  	_ =	shalt  }
0x4b: {  	_ =	shalt  }
0x4c: {  	_ =	shalt  }
0x4d: {  	_ =	shalt  }
0x4e: {  	_ =	shalt  }
0x4f: {  	_ =	shalt  }
0x50: {  	_ =	shalt  }
0x51: {  	_ =	shalt  }
0x52: {  	_ =	shalt  }
0x53: {  	_ =	shalt  }
0x54: {  	_ =	shalt  }
0x55: {  	_ =	shalt  }
0x56: {  	_ =	shalt  }
0x57: {  	_ =	shalt  }
0x58: {  	_ =	shalt  }
0x59: {  	_ =	shalt  }
0x5a: {  	_ =	shalt  }
0x5b: {  	_ =	shalt  }
0x5c: {  	_ =	shalt  }
0x5d: {  	_ =	shalt  }
0x5e: {  	_ =	shalt  }
0x5f: {  	_ =	shalt  }
0x60: {  	_ =	shalt  }
0x61: {  	_ =	shalt  }
0x62: {  	_ =	shalt  }
0x63: {  	_ =	shalt  }
0x64: {  	_ =	shalt  }
0x65: {  	_ =	shalt  }
0x66: {  	_ =	shalt  }
0x67: {  	_ =	shalt  }
0x68: {  	_ =	shalt  }
0x69: {  	_ =	shalt  }
0x6a: {  	_ =	shalt  }
0x6b: {  	_ =	shalt  }
0x6c: {  	_ =	shalt  }
0x6d: {  	_ =	shalt  }
0x6e: {  	_ =	shalt  }
0x6f: {  	_ =	shalt  }
0x70: {  	_ =	shalt  }
0x71: {  	_ =	shalt  }
0x72: {  	_ =	shalt  }
0x73: {  	_ =	shalt  }
0x74: {  	_ =	shalt  }
0x75: {  	_ =	shalt  }
0x76: {  	_ =	shalt  }
0x77: {  	_ =	shalt  }
0x78: {  	_ =	shalt  }
0x79: {  	_ =	shalt  }
0x7a: {  	_ =	shalt  }
0x7b: {  	_ =	shalt  }
0x7c: {  	_ =	shalt  }
0x7d: {  	_ =	shalt  }
0x7e: {  	_ =	shalt  }
0x7f: {  	_ =	shalt  }
0x80: {  	_ =	shalt  }
0x81: {  	_ =	shalt  }
0x82: {  	_ =	shalt  }
0x83: {  	_ =	shalt  }
0x84: {  	_ =	shalt  }
0x85: {  	_ =	shalt  }
0x86: {  	_ =	shalt  }
0x87: {  	_ =	shalt  }
.Lfunc_end0:
.L_simem_size_0:
called_computation_lowered:
.L_overlay_start_0:
0x88: {  	s2 =	sld [smem:$0x3FD9]  }
0x89: {  	s3 =	sld [smem:$0x3FFE];
	_ =	sdelay $0x1  }
0x8a: {  	s1 =	srdreg.scid  }
0x8b: {  	s0 =	sand.u32 $0x1, s1  }
0x8c: {  	s17 =	sshll.u32 s0, $0xA;
	s2 =	sadd.s32 s3, s2  }
0x8d: {  	s2 =	sadd.s32 s2, s17  }
0x8e: {  	[smem:$0x3FC1] =	sst s2  }
0x8f: {  	_ = 	snop  }
0x90: {  	s2 =	sld [smem:$0x3FC8]  }
0x91: {  	s18 =	sld [smem:$0x3FC7]  }
0x92: {  	s4 =	sld [smem:$0x3FD0];
	(tm) =	ssettm $0x1  }
0x93: {  	s5 =	sld [smem:$0x3FFB];
	_ =	sdelay $0x3  }
0x94: {  	_ =	strace s5  }
0x95: {  	s5 =	sld [smem:$0x3FFC];
	_ =	sdelay $0x3  }
0x96: {  	_ =	strace s5  }
0x97: {  	s5 =	sld [smem:$0x3FFD];
	_ =	sdelay $0x3  }
0x98: {  	_ =	strace s5  }
0x99: {  	_ =	strace $0x8FFFFFFF  }
0x9a: {  	s19 =	sld [smem:$0x3FDB];
	_ =	sdelay $0x1  }
0x9b: {  	s6 =	simm.s32 $_scs_section_size  }
0x9c: {  	s7 =	simm.s32 $_size__tile_overlayer_lowered;
	s8 =	simm.s32 $_tile_overlayer_lowered  }
0x9d: {  	s22 =	simm.s32 $0x1BFF;
	s21 =	sshll.u32 s8, $0x1;
	s5 =	sadd.s32 s6, s19  }
0x9e: {  	s9 =	simm.s32 $0x0;
	s20 =	sshll.u32 s7, $0x1;
	s7 =	sadd.s32 s21, s5  }
0x9f: {  	[timem:s9], [sflag:s22] =	dma.local [hbm:s7], s20  }
0xa0: {  	_ =	swait.ge [sflag:s22], s20  }
0xa1: {  	s6 =	ssub.s32 $0x0, s20;
	[sflag:s22] =	ssyncset.done $0x0  }
0xa2: {  	[sflag:s22] =	ssyncadd.s32 s6;
	_ =	sdelay $0x1  }
0xa3: {  	s23 =	simm.s32 $0x1B8B  }
0xa4: {  	_ =	swait.ge [sflag:s23], $0x1  }
0xa5: {  	[sflag:s23] =	ssyncset.done $0x0  }
0xa6: {  	s25 =	simm.s32 $0x1B8E;
	s24 =	sld [smem:$0x3FFE];
	[sflag:s23] =	ssyncadd.s32 $0xFFFFFFFF  }
0xa7: {  	s26 =	simm.s32 $execute0_lowered;
	[smem:$0x3FD2] =	sst s25  }
0xa8: {  	s7 =	sshll.u32 s26, $0x1;
	_ =	strace $0x80000046;
	[dreg:$0x1] =	wrdreg $0xFFFFFFFF  }
0xa9: {  	s28 =	simm.s32 $_size_execute0_lowered;
	s5 =	sadd.s32 s5, s7;
	[dreg:$0x0] =	wrdreg $0x0  }
0xaa: {  	s7 =	sshll.u32 s28, $0x1;
	[dreg:$0x2] =	wrdreg s5  }
0xab: {  	[dreg:$0x3] =	wrdreg s7  }
0xac: {  	[dreg:$0x4] =	wrdreg $0xC0  }
0xad: {  	_ =	task [dreg:s9], $0x5FFFF  }
0xae: {  	[dreg:$0x1] =	wrdreg $0xFFFFFFFF  }
0xaf: {  	[dreg:$0x0] =	wrdreg $0x60  }
0xb0: {  	[dreg:$0x2] =	wrdreg s2  }
0xb1: {  	[dreg:$0x3] =	wrdreg s18  }
0xb2: {  	[dreg:$0x4] =	wrdreg s24  }
0xb3: {  	[dreg:$0x5] =	wrdreg s4  }
0xb4: {  	[dreg:$0x6] =	wrdreg $0x9  }
0xb5: {  	_ =	task.clear_ibuf [dreg:s9], $0x7FFFF;
	_ =	strace $0x90000046  }
0xb6: {  	s29 =	simm.s32 $0x9;
	_ =	strace $0x80000048  }
0xb7: {  	_ =	swait.ge [sflag:s29], $0x1  }
0xb8: {  	[sflag:s29] =	ssyncadd.s32 $0xFFFFFFFF  }
0xb9: {  	_ =	strace $0x90000048  }
0xba: {  	_ =	sfence  }
0xbb: {  	s30 =	sld [smem:$0x0];
	_ =	sdelay $0x2  }
0xbc: {  	s31 =	sshll.u32 s1, $0xD;
	s1 =	sshrl.u32 s1, $0x2  }
0xbd: {  	s3 =	sand.u32 $0x4000, s31;
	s1 =	sadd.s32 s1, s30  }
0xbe: {  	s0 =	sor.u32 s3, s0;
	s1 =	sshll.u32 s1, $0x11  }
0xbf: {  	s0 =	sor.u32 s1, s0  }
0xc0: {  	s0 =	sadd.s32 $0x8F2B, s0  }
0xc1: {  	[sflag:s0] =	ssyncadd.remote.s32 $0x1  }
0xc2: {  	_ =	sfence.sel $0xFFFF  }
0xc3: {  	[dreg:$0x0] =	wrdreg $0xFFFFFFFF;
	(pc) =	sbr.abs _section_cstart, $3  }
0xc4: {  	[dreg:$0x1] =	wrdreg $0xFFFFFFFF  }
0xc5: {  	_ =	task.clear_ibuf [dreg:s9], $0x2FFFF;
	_ =	strace $0x9FFFFFFF  }
0xc6: {  	(tm) =	ssettm $0x7FFFFFFF  }
0xc7: {  	_ =	shalt  }
tec
execute0_lowered:
.L_overlay_start_1:
0x0: {  	(tag) =	ssettag $0x1  }
0x1: {  	s1 =	rddreg [dreg:$0x0];
	s3 =	srdreg.scid  }
0x2: {  	s2 =	rddreg [dreg:$0x1];
	s0 =	stileid.u32;
	s11 =	sand.u32 $0x1, s3  }
0x3: {  	s12 =	rddreg [dreg:$0x2];
	s29 =	sshll.u32 s0, $0xA;
	s4 =	sshll.u32 s11, $0x9  }
0x4: {  	s9 =	rddreg [dreg:$0x3];
	s10 =	sor.u32 s4, s29  }
0x5: {  	s3 =	rddreg [dreg:$0x4];
	s4 =	simm.s32 $0x0;
	s5 =	sshrl.u32 s10, $0x3  }
0x6: {  	[smem:$0x7FF] =	sst s4;
	s13 =	sadd.s32 s5, s12  }
0x7: {  	_ =	strace $0x80000047;
	s5 =	simm.s32 $0x2;
	s6 =	sadd.s32 $0x1E00, s13  }
0x8: {  	[tilespmem:s4], [sflag:$0x2] =	stream.linear.gather [hbm4b:s6+s4], $0x200, $0x38;
	[tilespmem:$0x10200] =	vst v63  }
0x9: {  	_ =	swait.ge [sflag:s5], $0x200  }
0xa: {  	[sflag:s5] =	ssyncset.done $0x0  }
0xb: {  	s7 =	simm.s32 $0x200;
	s8 =	simm.s32 $0x1;
	[sflag:s5] =	ssyncadd.s32 $0xFFFFFE00  }
0xc: {  	[tilespmem:s7], [sflag:$0x1] =	stream.indirect.gather [hbm4b:s1+s7], $0x80, s4, s7, $0xb8;
	[tilespmem:$0x10200] =	vst v63  }
0xd: {  	_ =	swait.ge [sflag:s8], $0x10000  }
0xe: {  	s14 =	sshll.u32 s10, $0x4;
	[sflag:s8] =	ssyncset.done $0x0  }
0xf: {  	s9 =	sadd.s32 s9, s14;
	[sflag:s8] =	ssyncadd.s32 $0xFFFF0000  }
0x10: {  	[hbm4b:s9+s4] =	stream.linear.scatter [tilespmem:s7], [sflag:$0x2], $0x10000, $0x38;
	[tilespmem:$0x10200] =	vst v63  }
0x11: {  	_ =	swait.ge [sflag:s5], $0x10000  }
0x12: {  	[sflag:s5] =	ssyncset.done $0x0  }
0x13: {  	s11 =	ssub.s32 $0x2, s11;
	s10 =	sadd.s32 $0x1600, s13;
	[sflag:s5] =	ssyncadd.s32 $0xFFFF0000  }
0x14: {  	[tilespmem:s4], [sflag:$0x2] =	stream.linear.gather [hbm4b:s10+s4], $0x200, $0x38;
	[tilespmem:$0x10200] =	vst v63  }
0x15: {  	s30 =	sshrl.u32 s11, $0x1;
	_ =	swait.ge [sflag:s5], $0x200  }
0x16: {  	s13 =	ssub.s32 s11, s30;
	[sflag:s5] =	ssyncset.done $0x0  }
0x17: {  	s31 =	smax.u32 s13, $0x1;
	[sflag:s5] =	ssyncadd.s32 $0xFFFFFE00  }
0x18: {  	[tilespmem:s7], [sflag:$0x1] =	stream.indirect.gather [hbm4b:s2+s7], $0x80, s4, s7, $0xb8;
	[tilespmem:$0x10200] =	vst v63  }
0x19: {  	p0 =	sne.s32 s31, $0x1;
	_ =	swait.ge [sflag:s8], $0x10000  }
.Ltmp0:
0x1a: {  	s12 =	sadd.s32 s14, s12;
	[sflag:s8] =	ssyncset.done $0x0;
	(pc) =	sbr.rel @!p0 .LBB2_2-.Ltmp0, $4  }
0x1b: {  	s11 =	sadd.s32 $0x2600, s12;
	[sflag:s8] =	ssyncadd.s32 $0xFFFF0000  }
0x1c: {  	[hbm4b:s11+s4] =	stream.linear.scatter [tilespmem:s7], [sflag:$0x2], $0x10000, $0x38;
	[tilespmem:$0x10200] =	vst v63  }
0x1d: {  	_ =	swait.ge [sflag:s5], $0x10000  }
0x1e: {  	s12 =	sadd.s32 $0xFFFFFFFF, s31;
	[sflag:s5] =	ssyncset.done $0x0  }
.LBB2_1:
0x1f: {  	p0 =	sne.s32 s12, $0x1;
	s12 =	sadd.s32 $0xFFFFFFFF, s12;
	[sflag:s5] =	ssyncadd.s32 $0xFFFF0000  }
0x20: {  	[tilespmem:s4], [sflag:$0x2] =	stream.linear.gather [hbm4b:s6+s4], $0x200, $0x38;
	[tilespmem:$0x10200] =	vst v63  }
0x21: {  	_ =	swait.ge [sflag:s5], $0x200  }
0x22: {  	[sflag:s5] =	ssyncset.done $0x0  }
0x23: {  	[sflag:s5] =	ssyncadd.s32 $0xFFFFFE00  }
0x24: {  	[tilespmem:s7], [sflag:$0x1] =	stream.indirect.gather [hbm4b:s1+s7], $0x80, s4, s7, $0xb8;
	[tilespmem:$0x10200] =	vst v63  }
0x25: {  	_ =	swait.ge [sflag:s8], $0x10000  }
0x26: {  	[sflag:s8] =	ssyncset.done $0x0  }
0x27: {  	[sflag:s8] =	ssyncadd.s32 $0xFFFF0000  }
0x28: {  	[hbm4b:s9+s4] =	stream.linear.scatter [tilespmem:s7], [sflag:$0x2], $0x10000, $0x38;
	[tilespmem:$0x10200] =	vst v63  }
0x29: {  	_ =	swait.ge [sflag:s5], $0x10000  }
0x2a: {  	[sflag:s5] =	ssyncset.done $0x0  }
0x2b: {  	[sflag:s5] =	ssyncadd.s32 $0xFFFF0000  }
0x2c: {  	[tilespmem:s4], [sflag:$0x2] =	stream.linear.gather [hbm4b:s10+s4], $0x200, $0x38;
	[tilespmem:$0x10200] =	vst v63  }
0x2d: {  	_ =	swait.ge [sflag:s5], $0x200  }
0x2e: {  	[sflag:s5] =	ssyncset.done $0x0  }
0x2f: {  	[sflag:s5] =	ssyncadd.s32 $0xFFFFFE00  }
0x30: {  	[tilespmem:s7], [sflag:$0x1] =	stream.indirect.gather [hbm4b:s2+s7], $0x80, s4, s7, $0xb8;
	[tilespmem:$0x10200] =	vst v63  }
0x31: {  	_ =	swait.ge [sflag:s8], $0x10000  }
.Ltmp1:
0x32: {  	[sflag:s8] =	ssyncset.done $0x0;
	(pc) =	sbr.rel @p0 .LBB2_1-.Ltmp1, $4  }
0x33: {  	[sflag:s8] =	ssyncadd.s32 $0xFFFF0000  }
0x34: {  	[hbm4b:s11+s4] =	stream.linear.scatter [tilespmem:s7], [sflag:$0x2], $0x10000, $0x38;
	[tilespmem:$0x10200] =	vst v63  }
0x35: {  	_ =	swait.ge [sflag:s5], $0x10000  }
0x36: {  	[sflag:s5] =	ssyncset.done $0x0  }
.LBB2_2:
0x37: {  	[sflag:s5] =	ssyncadd.s32 $0xFFFF0000  }
0x38: {  	_ =	sfence.sel $0x180000  }
0x39: {  	[bflag:$0x0] =	sbarrier.arrive $0xFFFF  }
0x3a: {  	p0 =	sne.s32 s0, $0x0;
	_ =	strace $0x90000047  }
0x3b: {  	s0 =	sadd.s32 @!p0 $0x100000, s3;
	[bflag:$0x2] =	sbarrier.arrive $0xFFFF  }
0x3c: {  	[sflag:s0] =	ssyncadd.tile.s32 @!p0 $0x1;
	_ =	shalt  }
.Lfunc_end2:
_tile_overlayer_lowered:
.L_overlay_start_2:
0x3d: {  	(tag) =	ssettag $0x2  }
0x3e: {  	s0 =	rddreg [dreg:$0x0];
	s2 =	stileid.u32  }
0x3f: {  	s1 =	rddreg [dreg:$0x1];
	p0 =	sne.s32 s2, $0x0  }
0x40: {  	s3 =	rddreg [dreg:$0x2];
	[bflag:$0x3] =	sbarrier.arrive $0xFFFF;
	s2 =	simm.s32 @!p0 $0x1C02  }
0x41: {  	[timem:s3], [sflag:s2] =	dma.local @!p0 [hbm:s0], s1  }
0x42: {  	s0 =	simm.s32 @!p0 $0x2  }
0x43: {  	_ =	swait.ge @!p0 [sflag:s0], s1  }
0x44: {  	s1 =	ssub.s32 @!p0 $0x0, s1;
	[sflag:s0] =	ssyncset.done @!p0 $0x0  }
0x45: {  	[sflag:s0] =	ssyncadd.s32 @!p0 s1  }
0x46: {  	[bflag:$0x3] =	sbarrier.arrive $0xFFFF  }
0x47: {  	_ =	shalt  }

</sc_bundles>
